<compile_context>
chip_gen: v7x
topology: tpu7x:2x2x1
jax: 0.10.2.dev20260603
libtpu: 0.0.44.dev20260713+nightly
codegen_flags: <defaults>
</compile_context>

<pallas_src>
import functools

import jax
import jax.numpy as jnp
import numpy as np
from jax.experimental import pallas as pl
from jax.experimental.pallas import tpu as pltpu
from jax.experimental.pallas import tpu_sc as plsc

B = 2048
K = 512
D = 64
BM = 256
NBLK = B // BM
KL_WEIGHT = 1.0
ENTROPY_WEIGHT = 0.1
EPS = 1e-6


def _np_threefry2x32(k1, k2, x0, x1):
    rot = ((13, 15, 26, 6), (17, 29, 16, 24))
    ks = (np.uint32(k1), np.uint32(k2),
          np.uint32(k1) ^ np.uint32(k2) ^ np.uint32(0x1BD11BDA))
    x0 = (x0 + ks[0]).astype(np.uint32)
    x1 = (x1 + ks[1]).astype(np.uint32)

    def rounds(a, b, rs):
        for r in rs:
            a = (a + b).astype(np.uint32)
            b = ((b << np.uint32(r)) | (b >> np.uint32(32 - r))).astype(np.uint32)
            b = a ^ b
        return a, b

    for i, (j0, j1) in enumerate(((1, 2), (2, 0), (0, 1), (1, 2), (2, 0))):
        x0, x1 = rounds(x0, x1, rot[i % 2])
        x0 = (x0 + ks[j0]).astype(np.uint32)
        x1 = (x1 + ks[j1] + np.uint32(i + 1)).astype(np.uint32)
    return x0, x1


def _gumbel_const():
    i = np.arange(B * K, dtype=np.uint64)
    c1 = (i >> np.uint64(32)).astype(np.uint32)
    c2 = (i & np.uint64(0xFFFFFFFF)).astype(np.uint32)
    b1, b2 = _np_threefry2x32(0, 42, c1, c2)
    fb = ((b1 ^ b2).reshape(B, K) >> np.uint32(9)) | np.uint32(0x3F800000)
    u = fb.view(np.float32) - np.float32(1.0)
    minv, maxv = np.float32(1e-20), np.float32(1.0)
    u = np.maximum(minv, u * (maxv - minv) + minv)
    return -np.log(-np.log(u, dtype=np.float32), dtype=np.float32)


_G = _gumbel_const()
_G2 = np.ascontiguousarray(_G.reshape(B, 4, 128).transpose(1, 0, 2))


def _tc_body(z_ref, p_ref, g_ref, idx_ref, loss_ref, tp_ref, cap_ref):
    i = pl.program_id(0)
    z = z_ref[...]
    p = p_ref[...]

    mm = jax.lax.dot_general(
        z, p, (((1,), (1,)), ((), ())),
        preferred_element_type=jnp.float32,
        precision=jax.lax.Precision.HIGHEST,
    )
    znorm = jnp.sum(z * z, axis=1, keepdims=True)
    pnorm = jnp.sum(p * p, axis=1, keepdims=True).reshape(1, K)
    nd = 2.0 * mm - znorm - pnorm

    g3 = g_ref[...]
    g = jnp.concatenate([g3[0], g3[1], g3[2], g3[3]], axis=1)
    scores = nd + g
    smax = jnp.max(scores, axis=1, keepdims=True)
    kiota = jax.lax.broadcasted_iota(jnp.int32, (BM, K), 1)
    idx = jnp.min(jnp.where(scores == smax, kiota, K), axis=1)
    idx_ref[...] = idx.astype(jnp.int32)

    m = jnp.max(nd, axis=1, keepdims=True)
    delta = nd - m
    e = jnp.exp(delta)
    s = jnp.sum(e, axis=1, keepdims=True)
    sm = e / s
    rowcap = jnp.log(s * (1.0 / K)) - jnp.sum(delta, axis=1, keepdims=True) * (1.0 / K)
    blk_cap = jnp.sum(rowcap)
    blk_tp = jnp.sum(sm, axis=0, keepdims=True)

    @pl.when(i == 0)
    def _init():
        tp_ref[...] = blk_tp
        cap_ref[0, 0] = blk_cap

    @pl.when(i > 0)
    def _acc():
        tp_ref[...] += blk_tp
        cap_ref[0, 0] += blk_cap

    @pl.when(i == NBLK - 1)
    def _finalize():
        tp = tp_ref[...] * (1.0 / B) + EPS
        ent = -jnp.sum(tp * jnp.log(tp))
        cap = cap_ref[0, 0] * (1.0 / B)
        total = KL_WEIGHT * (cap + ENTROPY_WEIGHT * ent)
        lane = jax.lax.broadcasted_iota(jnp.int32, (1, 128), 1)
        loss_ref[...] = jnp.where(lane == 0, total, jnp.where(lane == 1, cap, 0.0))


_TC_CALL = pl.pallas_call(
    _tc_body,
    grid=(NBLK,),
    in_specs=[
        pl.BlockSpec((BM, D), lambda i: (i, 0)),
        pl.BlockSpec((K, D), lambda i: (0, 0)),
        pl.BlockSpec((4, BM, 128), lambda i: (0, i, 0)),
    ],
    out_specs=[
        pl.BlockSpec((BM,), lambda i: (i,)),
        pl.BlockSpec((1, 128), lambda i: (0, 0)),
    ],
    out_shape=[
        jax.ShapeDtypeStruct((B,), jnp.int32),
        jax.ShapeDtypeStruct((1, 128), jnp.float32),
    ],
    scratch_shapes=[
        pltpu.VMEM((1, K), jnp.float32),
        pltpu.SMEM((1, 1), jnp.float32),
    ],
)

_SC_CORES = 2
_SC_SUBCORES = 16
_NW = _SC_CORES * _SC_SUBCORES
_BPW = B // _NW


@functools.cache
def _sc_gather_call():
    mesh = plsc.VectorSubcoreMesh(
        core_axis_name="c",
        subcore_axis_name="s",
        num_cores=_SC_CORES,
        num_subcores=_SC_SUBCORES,
    )

    @functools.partial(
        pl.kernel,
        mesh=mesh,
        out_type=jax.ShapeDtypeStruct((B, D), jnp.float32),
        scratch_types=[
            pltpu.VMEM((_BPW,), jnp.int32),
            pltpu.VMEM((_BPW, D), jnp.float32),
            pltpu.SemaphoreType.DMA,
        ],
        compiler_params=pltpu.CompilerParams(use_tc_tiling_on_sc=False),
    )
    def _sc_gather(table_hbm, idx_hbm, out_hbm, idx_v, rows_v, sem):
        wid = jax.lax.axis_index("s") * _SC_CORES + jax.lax.axis_index("c")
        base = wid * _BPW
        pltpu.sync_copy(idx_hbm.at[pl.ds(base, _BPW)], idx_v)
        pltpu.async_copy(table_hbm.at[idx_v], rows_v, sem).wait()
        pltpu.sync_copy(rows_v, out_hbm.at[pl.ds(base, _BPW)])

    return _sc_gather


def kernel(latents, prototypes):
    idx, loss = _TC_CALL(latents, prototypes, jnp.asarray(_G2))
    quantized = _sc_gather_call()(prototypes, idx)
    return quantized, loss[0, 0], loss[0, 1]

# --- scband reference (transcript-rebuilt; emitter-appended) ---
"""Pipeline reference for scband-vqlayer-77438260347297 (READ-ONLY COPY).

The authoritative reference and input builder live on the scoring server;
editing this copy changes nothing except your own understanding.
"""

import jax, jax.numpy as jnp
import numpy as np

KL_WEIGHT = 1.0
ENTROPY_WEIGHT = 0.1
TAU = 1.0
NUM_PROTOS = 512
LATENT_DIM = 64
B = 2048


def setup_inputs(seed: int = 0) -> dict:
    key = jax.random.key(seed)
    k1, k2 = jax.random.split(key)
    latents = jax.random.normal(k1, (B, LATENT_DIM), dtype=jnp.float32)
    # prototypes initialized uniform(-1/num_protos, 1/num_protos) as in the torch __init__
    prototypes = jax.random.uniform(k2, (NUM_PROTOS, LATENT_DIM), minval=-1.0 / NUM_PROTOS, maxval=1.0 / NUM_PROTOS, dtype=jnp.float32)
    return {"latents": latents, "prototypes": prototypes}


def _gumbel_softmax(logits, key, tau=1.0):
    u = jax.random.uniform(key, logits.shape, minval=1e-20, maxval=1.0)
    g = -jnp.log(-jnp.log(u))
    y_soft = jax.nn.softmax((logits + g) / tau, axis=-1)
    idx = jnp.argmax(y_soft, axis=-1)
    y_hard = jax.nn.one_hot(idx, logits.shape[-1], dtype=y_soft.dtype)
    # straight-through estimator
    onehot = y_soft + jax.lax.stop_gradient(y_hard - y_soft)
    logprobs = jax.nn.log_softmax(logits, axis=-1)
    return onehot, logprobs


def reference(latents, prototypes):
    # [B, 1, D] - [K, D] -> [B, K, D]
    vector_diffs = latents[:, None, :] - prototypes[None, :, :]
    normalized_dists = jnp.sum(vector_diffs ** 2, axis=2)  # [B, K]
    neg_dists = -1.0 * normalized_dists
    gkey = jax.random.key(42)
    onehot, logprobs = _gumbel_softmax(neg_dists, gkey, tau=TAU)
    quantized_latents = jnp.matmul(onehot, prototypes)  # [B, D]
    epsilon = 1e-06
    true_prior = jnp.mean(jnp.exp(logprobs) + epsilon, axis=0, keepdims=True)  # [1, K]
    true_prior = jnp.broadcast_to(true_prior, logprobs.shape)
    prior = jnp.ones_like(logprobs) / logprobs.shape[1]
    # nn.KLDivLoss(reduction='batchmean')(input=logprobs, target=prior)
    capacity = jnp.sum(prior * (jnp.log(prior) - logprobs)) / logprobs.shape[0]
    ent = jnp.sum(-1.0 * true_prior[0] * jnp.log(true_prior[0]))
    total_loss = KL_WEIGHT * (capacity + ENTROPY_WEIGHT * ent)
    return (quantized_latents, total_loss, capacity)

if __name__ == "__main__":
    import jax
    _d = setup_inputs()
    print(jax.jit(kernel)(*tuple(_d.values())))

</pallas_src>

<mosaic_0001>
#map = affine_map<(d0, d1) -> (0, 0)>
#map1 = affine_map<(d0, d1) -> (0)>
module attributes {stable_mosaic.version = 14 : i64} {
  func.func @_sc_gather(%arg0: i32, %arg1: i32, %arg2: memref<512x64xf32, #tpu.memory_space<hbm>>, %arg3: memref<2048xi32, #tpu.memory_space<hbm>>, %arg4: memref<2048x64xf32, #tpu.memory_space<hbm>>, %arg5: memref<64xi32, #tpu.memory_space<vmem>>, %arg6: memref<64x64xf32, #tpu.memory_space<vmem>>, %arg7: memref<!tpu.dma_semaphore, #tpu.memory_space<semaphore_mem>>) attributes {dimension_semantics = [#tpu.dimension_semantics<core_parallel>, #tpu.dimension_semantics<subcore_parallel>], iteration_bounds = array<i64: 2, 16>, scalar_prefetch = 0 : i64, scratch_operands = 3 : i64, tpu.core_type = #tpu.core_type<sc_vector_subcore>, window_params = [{transform_indices = #map}, {transform_indices = #map1}, {transform_indices = #map}]} {
    %mul3A = arith.constant 2 : i32
    %mul3A_0 = arith.muli %arg1, %mul3A : i32
    %add3A = arith.addi %mul3A_0, %arg0 : i32
    %mul3A_1 = arith.constant 64 : i32
    %mul3A_2 = arith.muli %add3A, %mul3A_1 : i32
    "tpu.region"() ({
      %run_scoped3A = tpu.sem_alloc : memref<!tpu.dma_semaphore, #tpu.memory_space<semaphore_mem>>
      %dma_start3A_7 = tpu.memref_slice %arg3[%mul3A_2] : memref<2048xi32, #tpu.memory_space<hbm>> -> memref<64xi32, #tpu.memory_space<hbm>>
      %dma_start3A_8 = tpu.memref_slice %arg3[%mul3A_2] : memref<2048xi32, #tpu.memory_space<hbm>> -> memref<64xi32, #tpu.memory_space<hbm>>
      tpu.enqueue_dma source(%dma_start3A_8 : memref<64xi32, #tpu.memory_space<hbm>>) target(%arg5 : memref<64xi32, #tpu.memory_space<vmem>>) target_semaphore(%run_scoped3A : memref<!tpu.dma_semaphore, #tpu.memory_space<semaphore_mem>>)
      %dma_wait3A_9 = tpu.memref_slice %arg3[%mul3A_2] : memref<2048xi32, #tpu.memory_space<hbm>> -> memref<64xi32, #tpu.memory_space<hbm>>
      %dma_wait3A_10 = tpu.memref_slice %arg3[%mul3A_2] : memref<2048xi32, #tpu.memory_space<hbm>> -> memref<64xi32, #tpu.memory_space<hbm>>
      tpu.wait_dma2 semaphore(%run_scoped3A : memref<!tpu.dma_semaphore, #tpu.memory_space<semaphore_mem>>) src(%dma_wait3A_10 : memref<64xi32, #tpu.memory_space<hbm>>) dst(%arg5 : memref<64xi32, #tpu.memory_space<vmem>>)
      tpu.yield
    }) : () -> ()
    %dma_start3A = arith.constant 0 : i32
    %dma_start3A_3 = arith.constant 0 : i32
    %dma_start3A_4 = tpu.memref_slice %arg2[%dma_start3A, %dma_start3A_3] : memref<512x64xf32, #tpu.memory_space<hbm>> -> memref<512x64xf32, #tpu.memory_space<hbm>>
    tpu.enqueue_indirect_dma source(%dma_start3A_4 : memref<512x64xf32, #tpu.memory_space<hbm>>) target(%arg6 : memref<64x64xf32, #tpu.memory_space<vmem>>) offsets(%arg5 : memref<64xi32, #tpu.memory_space<vmem>>) semaphore(%arg7 : memref<!tpu.dma_semaphore, #tpu.memory_space<semaphore_mem>>)
    %dma_wait3A = arith.constant 0 : i32
    %dma_wait3A_5 = arith.constant 0 : i32
    %dma_wait3A_6 = tpu.memref_slice %arg2[%dma_wait3A, %dma_wait3A_5] : memref<512x64xf32, #tpu.memory_space<hbm>> -> memref<512x64xf32, #tpu.memory_space<hbm>>
    tpu.wait_indirect_dma semaphore(%arg7 : memref<!tpu.dma_semaphore, #tpu.memory_space<semaphore_mem>>) src(%dma_wait3A_6 : memref<512x64xf32, #tpu.memory_space<hbm>>) dst(%arg6 : memref<64x64xf32, #tpu.memory_space<vmem>>)
    "tpu.region"() ({
      %run_scoped3A = tpu.sem_alloc : memref<!tpu.dma_semaphore, #tpu.memory_space<semaphore_mem>>
      %dma_start3A_7 = arith.constant 0 : i32
      %dma_start3A_8 = tpu.memref_slice %arg4[%mul3A_2, %dma_start3A_7] : memref<2048x64xf32, #tpu.memory_space<hbm>> -> memref<64x64xf32, #tpu.memory_space<hbm>>
      %dma_start3A_9 = arith.constant 0 : i32
      %dma_start3A_10 = tpu.memref_slice %arg4[%mul3A_2, %dma_start3A_9] : memref<2048x64xf32, #tpu.memory_space<hbm>> -> memref<64x64xf32, #tpu.memory_space<hbm>>
      tpu.enqueue_dma source(%arg6 : memref<64x64xf32, #tpu.memory_space<vmem>>) target(%dma_start3A_10 : memref<64x64xf32, #tpu.memory_space<hbm>>) target_semaphore(%run_scoped3A : memref<!tpu.dma_semaphore, #tpu.memory_space<semaphore_mem>>)
      %dma_wait3A_11 = arith.constant 0 : i32
      %dma_wait3A_12 = tpu.memref_slice %arg4[%mul3A_2, %dma_wait3A_11] : memref<2048x64xf32, #tpu.memory_space<hbm>> -> memref<64x64xf32, #tpu.memory_space<hbm>>
      %dma_wait3A_13 = arith.constant 0 : i32
      %dma_wait3A_14 = tpu.memref_slice %arg4[%mul3A_2, %dma_wait3A_13] : memref<2048x64xf32, #tpu.memory_space<hbm>> -> memref<64x64xf32, #tpu.memory_space<hbm>>
      tpu.wait_dma2 semaphore(%run_scoped3A : memref<!tpu.dma_semaphore, #tpu.memory_space<semaphore_mem>>) src(%arg6 : memref<64x64xf32, #tpu.memory_space<vmem>>) dst(%dma_wait3A_14 : memref<64x64xf32, #tpu.memory_space<hbm>>)
      tpu.yield
    }) : () -> ()
    return
  }
}

module attributes {stable_mosaic.version = 14 : i64} {
  func.func @_tc_body(%arg0: i32, %arg1: memref<256x64xf32, #tpu.memory_space<vmem>>, %arg2: memref<512x64xf32, #tpu.memory_space<vmem>>, %arg3: memref<4x256x128xf32, #tpu.memory_space<vmem>>, %arg4: memref<256xi32, #tpu.memory_space<vmem>>, %arg5: memref<1x128xf32, #tpu.memory_space<vmem>>, %arg6: memref<1x512xf32, #tpu.memory_space<vmem>>, %arg7: memref<1x1xf32, #tpu.memory_space<smem>>) attributes {dimension_semantics = [#tpu.dimension_semantics<arbitrary>], iteration_bounds = array<i64: 8>, scalar_prefetch = 0 : i64, scratch_operands = 2 : i64, tpu.core_type = #tpu.core_type<tc>, window_params = [{transform_indices = @transform_0, window_bounds = array<i64: 256, 64>}, {pipeline_mode = #tpu.pipeline_mode<synchronous>, transform_indices = @transform_1, window_bounds = array<i64: 512, 64>}, {transform_indices = @transform_2, window_bounds = array<i64: 4, 256, 128>}, {transform_indices = @transform_3, window_bounds = array<i64: 256>}, {pipeline_mode = #tpu.pipeline_mode<synchronous>, transform_indices = @transform_4, window_bounds = array<i64: 1, 128>}]} {
    %get3A = arith.constant 0 : index
    %get3A_0 = arith.constant 0 : index
    %get3A_1 = vector.load %arg1[%get3A, %get3A_0] : memref<256x64xf32, #tpu.memory_space<vmem>>, vector<256x64xf32>
    %get3A_2 = arith.constant 0 : index
    %get3A_3 = arith.constant 0 : index
    %get3A_4 = vector.load %arg2[%get3A_2, %get3A_3] : memref<512x64xf32, #tpu.memory_space<vmem>>, vector<512x64xf32>
    %dot_general3A = arith.constant dense<0.000000e+00> : vector<256x512xf32>
    %dot_general3A_5 = tpu.matmul %get3A_1, %get3A_4, %dot_general3A {dimension_numbers = #tpu.dot_dimension_numbers<[1], [1], [0], [0], [0, 0, 1, 0], [], []>, precision = #tpu.contract_precision<fp32>, transpose_lhs_hint = false} : vector<256x64xf32>, vector<512x64xf32>, vector<256x512xf32> -> vector<256x512xf32>
    %mul3A = arith.mulf %get3A_1, %get3A_1 : vector<256x64xf32>
    %reduce_sum3A = arith.constant dense<0.000000e+00> : vector<256xf32>
    %reduce_sum3A_6 = vector.multi_reduction <add>, %mul3A, %reduce_sum3A [1] : vector<256x64xf32> to vector<256xf32>
    %broadcast_in_dim3A = vector.shape_cast %reduce_sum3A_6 : vector<256xf32> to vector<256x1xf32>
    %mul3A_7 = arith.mulf %get3A_4, %get3A_4 : vector<512x64xf32>
    %reduce_sum3A_8 = arith.constant dense<0.000000e+00> : vector<512xf32>
    %reduce_sum3A_9 = vector.multi_reduction <add>, %mul3A_7, %reduce_sum3A_8 [1] : vector<512x64xf32> to vector<512xf32>
    %broadcast_in_dim3A_10 = vector.shape_cast %reduce_sum3A_9 : vector<512xf32> to vector<512x1xf32>
    %reshape3A = vector.shape_cast %broadcast_in_dim3A_10 : vector<512x1xf32> to vector<1x512xf32>
    %mul3A_11 = arith.constant 2.000000e+00 : f32
    %mul3A_12 = vector.broadcast %mul3A_11 : f32 to vector<256x512xf32>
    %mul3A_13 = arith.mulf %mul3A_12, %dot_general3A_5 : vector<256x512xf32>
    %sub3A = vector.broadcast %broadcast_in_dim3A : vector<256x1xf32> to vector<256x512xf32>
    %sub3A_14 = arith.subf %mul3A_13, %sub3A : vector<256x512xf32>
    %sub3A_15 = vector.broadcast %reshape3A : vector<1x512xf32> to vector<256x512xf32>
    %sub3A_16 = arith.subf %sub3A_14, %sub3A_15 : vector<256x512xf32>
    %get3A_17 = arith.constant 0 : index
    %get3A_18 = arith.constant 0 : index
    %get3A_19 = arith.constant 0 : index
    %get3A_20 = vector.load %arg3[%get3A_17, %get3A_18, %get3A_19] : memref<4x256x128xf32, #tpu.memory_space<vmem>>, vector<4x256x128xf32>
    %slice3A = vector.extract_strided_slice %get3A_20 {offsets = [0, 0, 0], sizes = [1, 256, 128], strides = [1, 1, 1]} : vector<4x256x128xf32> to vector<1x256x128xf32>
    %squeeze3A = vector.shape_cast %slice3A : vector<1x256x128xf32> to vector<256x128xf32>
    %slice3A_21 = vector.extract_strided_slice %get3A_20 {offsets = [1, 0, 0], sizes = [1, 256, 128], strides = [1, 1, 1]} : vector<4x256x128xf32> to vector<1x256x128xf32>
    %squeeze3A_22 = vector.shape_cast %slice3A_21 : vector<1x256x128xf32> to vector<256x128xf32>
    %slice3A_23 = vector.extract_strided_slice %get3A_20 {offsets = [2, 0, 0], sizes = [1, 256, 128], strides = [1, 1, 1]} : vector<4x256x128xf32> to vector<1x256x128xf32>
    %squeeze3A_24 = vector.shape_cast %slice3A_23 : vector<1x256x128xf32> to vector<256x128xf32>
    %slice3A_25 = vector.extract_strided_slice %get3A_20 {offsets = [3, 0, 0], sizes = [1, 256, 128], strides = [1, 1, 1]} : vector<4x256x128xf32> to vector<1x256x128xf32>
    %squeeze3A_26 = vector.shape_cast %slice3A_25 : vector<1x256x128xf32> to vector<256x128xf32>
    %concatenate3A = tpu.concatenate %squeeze3A, %squeeze3A_22, %squeeze3A_24, %squeeze3A_26 in 1 : vector<256x128xf32>, vector<256x128xf32>, vector<256x128xf32>, vector<256x128xf32> -> vector<256x512xf32>
    %add3A = arith.addf %sub3A_16, %concatenate3A : vector<256x512xf32>
    %reduce_max3A = arith.constant dense<0xFF800000> : vector<256xf32>
    %reduce_max3A_27 = vector.multi_reduction <maximumf>, %add3A, %reduce_max3A [1] : vector<256x512xf32> to vector<256xf32>
    %broadcast_in_dim3A_28 = vector.shape_cast %reduce_max3A_27 : vector<256xf32> to vector<256x1xf32>
    %iota3A = tpu.iota {dimensions = array<i32: 1>} : vector<256x512xi32>
    %eq3A = vector.broadcast %broadcast_in_dim3A_28 : vector<256x1xf32> to vector<256x512xf32>
    %eq3A_29 = arith.cmpf oeq, %add3A, %eq3A : vector<256x512xf32>
    %jit3A = arith.constant 512 : i32
    %broadcast_in_dim3A_30 = vector.broadcast %jit3A : i32 to vector<256x512xi32>
    %select_n3A = arith.select %eq3A_29, %iota3A, %broadcast_in_dim3A_30 : vector<256x512xi1>, vector<256x512xi32>
    %reduce_min3A = arith.constant dense<2147483647> : vector<256xi32>
    %reduce_min3A_31 = vector.multi_reduction <minsi>, %select_n3A, %reduce_min3A [1] : vector<256x512xi32> to vector<256xi32>
    %swap3A = arith.constant 0 : index
    %swap3A_32 = vector.load %arg4[%swap3A] : memref<256xi32, #tpu.memory_space<vmem>>, vector<256xi32>
    tpu.vector_store %arg4[%swap3A], %reduce_min3A_31 {strides = array<i32>} : memref<256xi32, #tpu.memory_space<vmem>>, vector<256xi32>,
    %reduce_max3A_33 = arith.constant dense<0xFF800000> : vector<256xf32>
    %reduce_max3A_34 = vector.multi_reduction <maximumf>, %sub3A_16, %reduce_max3A_33 [1] : vector<256x512xf32> to vector<256xf32>
    %broadcast_in_dim3A_35 = vector.shape_cast %reduce_max3A_34 : vector<256xf32> to vector<256x1xf32>
    %sub3A_36 = vector.broadcast %broadcast_in_dim3A_35 : vector<256x1xf32> to vector<256x512xf32>
    %sub3A_37 = arith.subf %sub3A_16, %sub3A_36 : vector<256x512xf32>
    %exp3A = math.exp %sub3A_37 : vector<256x512xf32>
    %reduce_sum3A_38 = arith.constant dense<0.000000e+00> : vector<256xf32>
    %reduce_sum3A_39 = vector.multi_reduction <add>, %exp3A, %reduce_sum3A_38 [1] : vector<256x512xf32> to vector<256xf32>
    %broadcast_in_dim3A_40 = vector.shape_cast %reduce_sum3A_39 : vector<256xf32> to vector<256x1xf32>
    %div3A = vector.broadcast %broadcast_in_dim3A_40 : vector<256x1xf32> to vector<256x512xf32>
    %div3A_41 = arith.divf %exp3A, %div3A : vector<256x512xf32>
    %mul3A_42 = arith.constant 0.001953125 : f32
    %mul3A_43 = vector.broadcast %mul3A_42 : f32 to vector<256x1xf32>
    %mul3A_44 = arith.mulf %broadcast_in_dim3A_40, %mul3A_43 : vector<256x1xf32>
    %log3A = math.log %mul3A_44 : vector<256x1xf32>
    %reduce_sum3A_45 = arith.constant dense<0.000000e+00> : vector<256xf32>
    %reduce_sum3A_46 = vector.multi_reduction <add>, %sub3A_37, %reduce_sum3A_45 [1] : vector<256x512xf32> to vector<256xf32>
    %broadcast_in_dim3A_47 = vector.shape_cast %reduce_sum3A_46 : vector<256xf32> to vector<256x1xf32>
    %mul3A_48 = arith.constant 0.001953125 : f32
    %mul3A_49 = vector.broadcast %mul3A_48 : f32 to vector<256x1xf32>
    %mul3A_50 = arith.mulf %broadcast_in_dim3A_47, %mul3A_49 : vector<256x1xf32>
    %sub3A_51 = arith.subf %log3A, %mul3A_50 : vector<256x1xf32>
    %reduce_sum3A_52 = vector.shape_cast %sub3A_51 : vector<256x1xf32> to vector<1x256x1xf32>
    %reduce_sum3A_53 = arith.constant dense<0.000000e+00> : vector<1xf32>
    %reduce_sum3A_54 = vector.multi_reduction <add>, %reduce_sum3A_52, %reduce_sum3A_53 [1, 2] : vector<1x256x1xf32> to vector<1xf32>
    %reduce_sum3A_55 = vector.shape_cast %reduce_sum3A_54 : vector<1xf32> to vector<1x1x1xf32>
    %reduce_sum3A_56 = vector.extract %reduce_sum3A_55[0, 0, 0] : f32 from vector<1x1x1xf32>
    %reduce_sum3A_57 = arith.constant dense<0.000000e+00> : vector<512xf32>
    %reduce_sum3A_58 = vector.multi_reduction <add>, %div3A_41, %reduce_sum3A_57 [0] : vector<256x512xf32> to vector<512xf32>
    %broadcast_in_dim3A_59 = vector.shape_cast %reduce_sum3A_58 : vector<512xf32> to vector<1x512xf32>
    %eq3A_60 = arith.constant 0 : i32
    %eq3A_61 = arith.cmpi eq, %arg0, %eq3A_60 : i32
    %convert_element_type3A = arith.extui %eq3A_61 : i1 to i32
    %cond3A = arith.constant 0 : i32
    %cond3A_62 = arith.cmpi ne, %convert_element_type3A, %cond3A : i32
    scf.if %cond3A_62 {
      %swap3A_72 = arith.constant 0 : index
      %swap3A_73 = arith.constant 0 : index
      %swap3A_74 = vector.load %arg6[%swap3A_72, %swap3A_73] : memref<1x512xf32, #tpu.memory_space<vmem>>, vector<1x512xf32>
      tpu.vector_store %arg6[%swap3A_72, %swap3A_73], %broadcast_in_dim3A_59 {strides = array<i32>} : memref<1x512xf32, #tpu.memory_space<vmem>>, vector<1x512xf32>,
      %swap3A_75 = arith.constant 0 : index
      %swap3A_76 = arith.constant 0 : index
      %swap3A_77 = memref.load %arg7[%swap3A_75, %swap3A_76] : memref<1x1xf32, #tpu.memory_space<smem>>
      memref.store %reduce_sum3A_56, %arg7[%swap3A_75, %swap3A_76] : memref<1x1xf32, #tpu.memory_space<smem>>
    } else {
    }
    %gt3A = arith.constant 0 : i32
    %gt3A_63 = arith.cmpi sgt, %arg0, %gt3A : i32
    %convert_element_type3A_64 = arith.extui %gt3A_63 : i1 to i32
    %cond3A_65 = arith.constant 0 : i32
    %cond3A_66 = arith.cmpi ne, %convert_element_type3A_64, %cond3A_65 : i32
    scf.if %cond3A_66 {
      %get3A_72 = arith.constant 0 : index
      %get3A_73 = arith.constant 0 : index
      %get3A_74 = vector.load %arg6[%get3A_72, %get3A_73] : memref<1x512xf32, #tpu.memory_space<vmem>>, vector<1x512xf32>
      %add3A_75 = arith.addf %get3A_74, %broadcast_in_dim3A_59 : vector<1x512xf32>
      %swap3A_76 = arith.constant 0 : index
      %swap3A_77 = arith.constant 0 : index
      %swap3A_78 = vector.load %arg6[%swap3A_76, %swap3A_77] : memref<1x512xf32, #tpu.memory_space<vmem>>, vector<1x512xf32>
      tpu.vector_store %arg6[%swap3A_76, %swap3A_77], %add3A_75 {strides = array<i32>} : memref<1x512xf32, #tpu.memory_space<vmem>>, vector<1x512xf32>,
      %get3A_79 = arith.constant 0 : index
      %get3A_80 = arith.constant 0 : index
      %get3A_81 = memref.load %arg7[%get3A_79, %get3A_80] : memref<1x1xf32, #tpu.memory_space<smem>>
      %add3A_82 = arith.addf %get3A_81, %reduce_sum3A_56 : f32
      %swap3A_83 = arith.constant 0 : index
      %swap3A_84 = arith.constant 0 : index
      %swap3A_85 = memref.load %arg7[%swap3A_83, %swap3A_84] : memref<1x1xf32, #tpu.memory_space<smem>>
      memref.store %add3A_82, %arg7[%swap3A_83, %swap3A_84] : memref<1x1xf32, #tpu.memory_space<smem>>
    } else {
    }
    %eq3A_67 = arith.constant 7 : i32
    %eq3A_68 = arith.cmpi eq, %arg0, %eq3A_67 : i32
    %convert_element_type3A_69 = arith.extui %eq3A_68 : i1 to i32
    %cond3A_70 = arith.constant 0 : i32
    %cond3A_71 = arith.cmpi ne, %convert_element_type3A_69, %cond3A_70 : i32
    scf.if %cond3A_71 {
      %get3A_72 = arith.constant 0 : index
      %get3A_73 = arith.constant 0 : index
      %get3A_74 = vector.load %arg6[%get3A_72, %get3A_73] : memref<1x512xf32, #tpu.memory_space<vmem>>, vector<1x512xf32>
      %mul3A_75 = arith.constant 4.8828125E-4 : f32
      %mul3A_76 = vector.broadcast %mul3A_75 : f32 to vector<1x512xf32>
      %mul3A_77 = arith.mulf %get3A_74, %mul3A_76 : vector<1x512xf32>
      %add3A_78 = arith.constant 9.99999997E-7 : f32
      %add3A_79 = vector.broadcast %add3A_78 : f32 to vector<1x512xf32>
      %add3A_80 = arith.addf %mul3A_77, %add3A_79 : vector<1x512xf32>
      %log3A_81 = math.log %add3A_80 : vector<1x512xf32>
      %mul3A_82 = arith.mulf %add3A_80, %log3A_81 : vector<1x512xf32>
      %reduce_sum3A_83 = vector.shape_cast %mul3A_82 : vector<1x512xf32> to vector<1x1x512xf32>
      %reduce_sum3A_84 = arith.constant dense<0.000000e+00> : vector<1xf32>
      %reduce_sum3A_85 = vector.multi_reduction <add>, %reduce_sum3A_83, %reduce_sum3A_84 [1, 2] : vector<1x1x512xf32> to vector<1xf32>
      %reduce_sum3A_86 = vector.shape_cast %reduce_sum3A_85 : vector<1xf32> to vector<1x1x1xf32>
      %reduce_sum3A_87 = vector.extract %reduce_sum3A_86[0, 0, 0] : f32 from vector<1x1x1xf32>
      %neg3A = arith.constant 0.000000e+00 : f32
      %neg3A_88 = arith.subf %neg3A, %reduce_sum3A_87 : f32
      %get3A_89 = arith.constant 0 : index
      %get3A_90 = arith.constant 0 : index
      %get3A_91 = memref.load %arg7[%get3A_89, %get3A_90] : memref<1x1xf32, #tpu.memory_space<smem>>
      %mul3A_92 = arith.constant 4.8828125E-4 : f32
      %mul3A_93 = arith.mulf %get3A_91, %mul3A_92 : f32
      %mul3A_94 = arith.constant 1.000000e-01 : f32
      %mul3A_95 = arith.mulf %mul3A_94, %neg3A_88 : f32
      %add3A_96 = arith.addf %mul3A_93, %mul3A_95 : f32
      %mul3A_97 = arith.constant 1.000000e+00 : f32
      %mul3A_98 = arith.mulf %mul3A_97, %add3A_96 : f32
      %iota3A_99 = tpu.iota {dimensions = array<i32: 1>} : vector<1x128xi32>
      %eq3A_100 = arith.constant 0 : i32
      %eq3A_101 = vector.broadcast %eq3A_100 : i32 to vector<1x128xi32>
      %eq3A_102 = arith.cmpi eq, %iota3A_99, %eq3A_101 : vector<1x128xi32>
      %eq3A_103 = arith.constant 1 : i32
      %eq3A_104 = vector.broadcast %eq3A_103 : i32 to vector<1x128xi32>
      %eq3A_105 = arith.cmpi eq, %iota3A_99, %eq3A_104 : vector<1x128xi32>
      %jit3A_106 = arith.constant 0.000000e+00 : f32
      %broadcast_in_dim3A_107 = vector.broadcast %mul3A_93 : f32 to vector<1x128xf32>
      %broadcast_in_dim3A_108 = vector.broadcast %jit3A_106 : f32 to vector<1x128xf32>
      %select_n3A_109 = arith.select %eq3A_105, %broadcast_in_dim3A_107, %broadcast_in_dim3A_108 : vector<1x128xi1>, vector<1x128xf32>
      %broadcast_in_dim3A_110 = vector.broadcast %mul3A_98 : f32 to vector<1x128xf32>
      %select_n3A_111 = arith.select %eq3A_102, %broadcast_in_dim3A_110, %select_n3A_109 : vector<1x128xi1>, vector<1x128xf32>
      %swap3A_112 = arith.constant 0 : index
      %swap3A_113 = arith.constant 0 : index
      %swap3A_114 = vector.load %arg5[%swap3A_112, %swap3A_113] : memref<1x128xf32, #tpu.memory_space<vmem>>, vector<1x128xf32>
      tpu.vector_store %arg5[%swap3A_112, %swap3A_113], %select_n3A_111 {strides = array<i32>} : memref<1x128xf32, #tpu.memory_space<vmem>>, vector<1x128xf32>,
    } else {
    }
    return
  }
  func.func @transform_0(%arg0: i32) -> (i32, i32) {
    %c0_i32 = arith.constant 0 : i32
    %c0_i32_0 = arith.constant 0 : i32
    return %arg0, %c0_i32 : i32, i32
  }
  func.func @transform_1(%arg0: i32) -> (i32, i32) {
    %c0_i32 = arith.constant 0 : i32
    %c0_i32_0 = arith.constant 0 : i32
    %c0_i32_1 = arith.constant 0 : i32
    return %c0_i32, %c0_i32_0 : i32, i32
  }
  func.func @transform_2(%arg0: i32) -> (i32, i32, i32) {
    %c0_i32 = arith.constant 0 : i32
    %c0_i32_0 = arith.constant 0 : i32
    %c0_i32_1 = arith.constant 0 : i32
    return %c0_i32, %arg0, %c0_i32_0 : i32, i32, i32
  }
  func.func @transform_3(%arg0: i32) -> i32 {
    %c0_i32 = arith.constant 0 : i32
    return %arg0 : i32
  }
  func.func @transform_4(%arg0: i32) -> (i32, i32) {
    %c0_i32 = arith.constant 0 : i32
    %c0_i32_0 = arith.constant 0 : i32
    %c0_i32_1 = arith.constant 0 : i32
    return %c0_i32, %c0_i32_0 : i32, i32
  }
}

</mosaic_0001>

<sc_bundles>
// kernel: kernel.4.cloned.1.call-start
scs
__scs_entry_jumppad:
0x0: {  	(pc) =	sbr.rel $0x88, $3  }
0x1: {  	(tag) =	ssettag $0x0;
	lr =	simm.s32 $0x1  }
0x2: {  	[smem:$0x3F9F] =	sst lr;
	_ =	strace $0xD0000000  }
0x3: {  	_ = 	snop  }
0x4: {  	_ = 	snop  }
0x5: {  	_ = 	snop  }
0x6: {  	_ = 	snop  }
0x7: {  	_ = 	snop  }
__scs_overlays_trampoline_lowered:
0x8: {  	[smem:$0x3FAE] =	sst s0  }
0x9: {  	[smem:$0x3FAF] =	sst s1  }
0xa: {  	[smem:$0x3FB0] =	sst s2  }
0xb: {  	[smem:$0x3FB1] =	sst s3  }
0xc: {  	[smem:$0x3FB2] =	sst s4  }
0xd: {  	[smem:$0x3FB3] =	sst s5  }
0xe: {  	[smem:$0x3FB4] =	sst s6  }
0xf: {  	[smem:$0x3FB5] =	sst s7  }
0x10: {  	[smem:$0x3FB6] =	sst s8  }
0x11: {  	[smem:$0x3FB7] =	sst s9;
	s0 =	simm.s32 @!p0 $0x0  }
0x12: {  	s1 =	sld [smem:$0x3F9D];
	s0 =	simm.s32 @p0 $0x1  }
0x13: {  	[smem:$0x3FB8] =	sst s0;
	s0 =	simm.s32 @!p1 $0x0  }
0x14: {  	s2 =	sld [smem:$0x3F9C];
	s0 =	simm.s32 @p1 $0x1  }
0x15: {  	[smem:$0x3FB9] =	sst s0;
	s0 =	simm.s32 @!p2 $0x0  }
0x16: {  	s3 =	sld [smem:$0x3FDB];
	s0 =	simm.s32 @p2 $0x1  }
0x17: {  	s4 =	simm.s32 $0x1BF5;
	[smem:$0x3FBB] =	sst s0  }
0x18: {  	s0 =	sld [smem:$0x3F9E];
	_ =	swait.ge [sflag:s4], $0x0  }
0x19: {  	s7 =	sld [smem:$0x3F9F]  }
0x1a: {  	s8 =	sadd.s32 $0xFFFFE003, lr  }
0x1b: {  	s9 =	sadd.s32 $0xFFFFFEF7, lr;
	s5 =	simm.s32 $0xFFFFFFFF;
	p2 =	slt.u32 s8, $0xFFFFF086  }
0x1c: {  	p1 =	slt.u32 s9, $0xF7A;
	s5 =	simm.s32 @!p2 $0x0  }
0x1d: {  	s5 =	simm.s32 @p1 $0x1;
	p0 =	seq.s32 s7, s2  }
0x1e: {  	s7 =	smul.u32 @!p0 $0xF7A, s2;
	p2 =	seq.s32 @!p0 s5, $0x0  }
0x1f: {  	s9 =	smul.u32 $0xF7A, s1;
	s8 =	simm.s32 @!p0 $0x1BF5;
	p2 =	por !p2, p0  }
0x20: {  	[sflag:s8] =	ssyncset.s32 @!p0 $0xFFFFF086;
	s6 =	sadd.s32 @!p0 s3, s7;
	s7 =	simm.s32 @!p0 $0x108  }
0x21: {  	s3 =	sadd.s32 s3, s9;
	s6 =	sadd.s32 @!p0 $0x88, s6;
	s7 =	simm.s32 @p2 $0x1082  }
0x22: {  	[simem:s7], [sflag:s8] =	dma.local @!p0 [hbm:s6], $0xF7A  }
0x23: {  	s9 =	sor.u32 $0xD0000000, s2;
	s6 =	simm.s32 $0x108;
	_ =	swait.ge @!p0 [sflag:s8], $0x0  }
0x24: {  	s3 =	sadd.s32 $0x88, s3;
	s6 =	simm.s32 @!p1 $0x1082;
	[sflag:s4] =	ssyncset.s32 $0xFFFFF086  }
0x25: {  	[simem:s6], [sflag:s4] =	dma.local [hbm:s3], $0xF7A  }
0x26: {  	[smem:$0x3F9F] =	sst s1;
	(tag) =	ssettag s2;
	_ =	strace s9  }
0x27: {  	s1 =	sld [smem:$0x3FAF]  }
0x28: {  	s2 =	sld [smem:$0x3FB0]  }
0x29: {  	s4 =	sld [smem:$0x3FB2]  }
0x2a: {  	p0 =	seq.s32 s5, $0x0;
	s5 =	sld [smem:$0x3FB3]  }
0x2b: {  	s6 =	sld [smem:$0x3FB4]  }
0x2c: {  	s7 =	sld [smem:$0x3FB5]  }
0x2d: {  	s3 =	simm.s32 $0x108;
	s8 =	sld [smem:$0x3FB6]  }
0x2e: {  	s3 =	simm.s32 @!p0 $0x1082;
	s9 =	sld [smem:$0x3FB7]  }
0x2f: {  	lr =	sadd.s32 s0, s3;
	s0 =	sld [smem:$0x3FAE]  }
0x30: {  	s3 =	sld [smem:$0x3FB1]  }
0x31: {  	[smem:$0x3FBA] =	sst s10  }
0x32: {  	s10 =	sld [smem:$0x3FB8];
	_ =	sdelay $0x3  }
0x33: {  	p0 =	seq.s32 s10, $0x1;
	s10 =	sld [smem:$0x3FBA];
	_ =	sdelay $0x3  }
0x34: {  	[smem:$0x3FBA] =	sst s10  }
0x35: {  	s10 =	sld [smem:$0x3FB9];
	_ =	sdelay $0x3  }
0x36: {  	p1 =	seq.s32 s10, $0x1;
	s10 =	sld [smem:$0x3FBA];
	_ =	sdelay $0x3  }
0x37: {  	[smem:$0x3FBA] =	sst s10  }
0x38: {  	s10 =	sld [smem:$0x3FBB]  }
0x39: {  	_ = 	snop;
	(pc) =	sbr.ind lr, $3  }
0x3a: {  	_ = 	snop  }
0x3b: {  	_ = 	snop  }
0x3c: {  	p2 =	seq.s32 s10, $0x1;
	s10 =	sld [smem:$0x3FBA]  }
0x3d: {  	_ =	shalt  }
0x3e: {  	_ =	shalt  }
0x3f: {  	_ =	shalt  }
0x40: {  	_ =	shalt  }
0x41: {  	_ =	shalt  }
0x42: {  	_ =	shalt  }
0x43: {  	_ =	shalt  }
0x44: {  	_ =	shalt  }
0x45: {  	_ =	shalt  }
0x46: {  	_ =	shalt  }
0x47: {  	_ =	shalt  }
0x48: {  	_ =	shalt  }
0x49: {  	_ =	shalt  }
0x4a: {  	_ =	shalt  }
0x4b: {  	_ =	shalt  }
0x4c: {  	_ =	shalt  }
0x4d: {  	_ =	shalt  }
0x4e: {  	_ =	shalt  }
0x4f: {  	_ =	shalt  }
0x50: {  	_ =	shalt  }
0x51: {  	_ =	shalt  }
0x52: {  	_ =	shalt  }
0x53: {  	_ =	shalt  }
0x54: {  	_ =	shalt  }
0x55: {  	_ =	shalt  }
0x56: {  	_ =	shalt  }
0x57: {  	_ =	shalt  }
0x58: {  	_ =	shalt  }
0x59: {  	_ =	shalt  }
0x5a: {  	_ =	shalt  }
0x5b: {  	_ =	shalt  }
0x5c: {  	_ =	shalt  }
0x5d: {  	_ =	shalt  }
0x5e: {  	_ =	shalt  }
0x5f: {  	_ =	shalt  }
0x60: {  	_ =	shalt  }
0x61: {  	_ =	shalt  }
0x62: {  	_ =	shalt  }
0x63: {  	_ =	shalt  }
0x64: {  	_ =	shalt  }
0x65: {  	_ =	shalt  }
0x66: {  	_ =	shalt  }
0x67: {  	_ =	shalt  }
0x68: {  	_ =	shalt  }
0x69: {  	_ =	shalt  }
0x6a: {  	_ =	shalt  }
0x6b: {  	_ =	shalt  }
0x6c: {  	_ =	shalt  }
0x6d: {  	_ =	shalt  }
0x6e: {  	_ =	shalt  }
0x6f: {  	_ =	shalt  }
0x70: {  	_ =	shalt  }
0x71: {  	_ =	shalt  }
0x72: {  	_ =	shalt  }
0x73: {  	_ =	shalt  }
0x74: {  	_ =	shalt  }
0x75: {  	_ =	shalt  }
0x76: {  	_ =	shalt  }
0x77: {  	_ =	shalt  }
0x78: {  	_ =	shalt  }
0x79: {  	_ =	shalt  }
0x7a: {  	_ =	shalt  }
0x7b: {  	_ =	shalt  }
0x7c: {  	_ =	shalt  }
0x7d: {  	_ =	shalt  }
0x7e: {  	_ =	shalt  }
0x7f: {  	_ =	shalt  }
0x80: {  	_ =	shalt  }
0x81: {  	_ =	shalt  }
0x82: {  	_ =	shalt  }
0x83: {  	_ =	shalt  }
0x84: {  	_ =	shalt  }
0x85: {  	_ =	shalt  }
0x86: {  	_ =	shalt  }
0x87: {  	_ =	shalt  }
.Lfunc_end0:
.L_simem_size_0:
called_computation_lowered:
.L_overlay_start_0:
0x88: {  	s2 =	sld [smem:$0x3FD9]  }
0x89: {  	s3 =	sld [smem:$0x3FFE];
	_ =	sdelay $0x1  }
0x8a: {  	s1 =	srdreg.scid  }
0x8b: {  	s0 =	sand.u32 $0x1, s1  }
0x8c: {  	s14 =	sshll.u32 s0, $0xA;
	s2 =	sadd.s32 s3, s2  }
0x8d: {  	s2 =	sadd.s32 s2, s14  }
0x8e: {  	[smem:$0x3FC6] =	sst s2  }
0x8f: {  	_ = 	snop  }
0x90: {  	s2 =	sld [smem:$0x3FD0];
	_ =	sdelay $0x2  }
0x91: {  	s15 =	simm.s32 $0xA;
	s4 =	simm.s32 $0x10  }
0x92: {  	[smem:s4], [sflag:s15] =	dma.local [hbm:s2], $0x1  }
0x93: {  	_ =	swait.eq [sflag:s15], $0x1  }
0x94: {  	[sflag:s15] =	ssyncset.done $0x0  }
0x95: {  	[sflag:s15] =	ssyncadd.s32 $0xFFFFFFFF  }
0x96: {  	s16 =	sld [smem:$0x10];
	(tm) =	ssettm $0x1  }
0x97: {  	s17 =	sld [smem:$0x3FFB];
	_ =	sdelay $0x3  }
0x98: {  	_ =	strace s17  }
0x99: {  	s3 =	sld [smem:$0x3FFC];
	_ =	sdelay $0x3  }
0x9a: {  	_ =	strace s3  }
0x9b: {  	s3 =	sld [smem:$0x3FFD];
	_ =	sdelay $0x3  }
0x9c: {  	_ =	strace s3  }
0x9d: {  	_ =	strace $0x8FFFFFFF  }
0x9e: {  	s18 =	sld [smem:$0x3FDB];
	_ =	sdelay $0x1  }
0x9f: {  	s19 =	simm.s32 $_scs_section_size  }
0xa0: {  	s5 =	simm.s32 $_size__tile_overlayer_lowered;
	s6 =	simm.s32 $_tile_overlayer_lowered  }
0xa1: {  	s22 =	simm.s32 $0x1BFF;
	s21 =	sshll.u32 s6, $0x1;
	s3 =	sadd.s32 s19, s18  }
0xa2: {  	s7 =	simm.s32 $0x0;
	s20 =	sshll.u32 s5, $0x1;
	s5 =	sadd.s32 s21, s3  }
0xa3: {  	[timem:s7], [sflag:s22] =	dma.local [hbm:s5], s20  }
0xa4: {  	_ =	swait.ge [sflag:s22], s20  }
0xa5: {  	s4 =	ssub.s32 $0x0, s20;
	[sflag:s22] =	ssyncset.done $0x0  }
0xa6: {  	[sflag:s22] =	ssyncadd.s32 s4;
	_ =	sdelay $0x1  }
0xa7: {  	s23 =	simm.s32 $0x1B8B  }
0xa8: {  	_ =	swait.ge [sflag:s23], $0x1  }
0xa9: {  	[sflag:s23] =	ssyncset.done $0x0  }
0xaa: {  	s25 =	simm.s32 $0x1B8E;
	s24 =	sld [smem:$0x3FFE];
	[sflag:s23] =	ssyncadd.s32 $0xFFFFFFFF  }
0xab: {  	s26 =	simm.s32 $execute0_lowered;
	[smem:$0x3FD2] =	sst s25  }
0xac: {  	s5 =	sshll.u32 s26, $0x1;
	_ =	strace $0x80000046;
	[dreg:$0x1] =	wrdreg $0xFFFFFFFF  }
0xad: {  	s28 =	simm.s32 $_size_execute0_lowered;
	s3 =	sadd.s32 s3, s5;
	[dreg:$0x0] =	wrdreg $0x0  }
0xae: {  	s5 =	sshll.u32 s28, $0x1;
	[dreg:$0x2] =	wrdreg s3  }
0xaf: {  	[dreg:$0x3] =	wrdreg s5  }
0xb0: {  	[dreg:$0x4] =	wrdreg $0xC0  }
0xb1: {  	_ =	task [dreg:s7], $0x5FFFF  }
0xb2: {  	[dreg:$0x1] =	wrdreg $0xFFFFFFFF  }
0xb3: {  	[dreg:$0x0] =	wrdreg $0x60  }
0xb4: {  	[dreg:$0x2] =	wrdreg s24  }
0xb5: {  	[dreg:$0x3] =	wrdreg s16  }
0xb6: {  	[dreg:$0x4] =	wrdreg $0x9  }
0xb7: {  	_ =	task.clear_ibuf [dreg:s7], $0x5FFFF;
	_ =	strace $0x90000046  }
0xb8: {  	s29 =	simm.s32 $0x9;
	_ =	strace $0x80000048  }
0xb9: {  	_ =	swait.ge [sflag:s29], $0x1  }
0xba: {  	[sflag:s29] =	ssyncadd.s32 $0xFFFFFFFF  }
0xbb: {  	_ =	strace $0x90000048  }
0xbc: {  	_ =	sfence  }
0xbd: {  	s30 =	sld [smem:$0x0];
	_ =	sdelay $0x2  }
0xbe: {  	s31 =	sshll.u32 s1, $0xD;
	s1 =	sshrl.u32 s1, $0x2  }
0xbf: {  	s3 =	sand.u32 $0x4000, s31;
	s1 =	sadd.s32 s1, s30  }
0xc0: {  	s0 =	sor.u32 s3, s0;
	s1 =	sshll.u32 s1, $0x11  }
0xc1: {  	s0 =	sor.u32 s1, s0  }
0xc2: {  	s0 =	sadd.s32 $0x8F2B, s0  }
0xc3: {  	[sflag:s0] =	ssyncadd.remote.s32 $0x1  }
0xc4: {  	_ =	sfence.sel $0xFFFF  }
0xc5: {  	[dreg:$0x0] =	wrdreg $0xFFFFFFFF;
	(pc) =	sbr.abs _section_cstart, $3  }
0xc6: {  	[dreg:$0x1] =	wrdreg $0xFFFFFFFF  }
0xc7: {  	_ =	task.clear_ibuf [dreg:s7], $0x2FFFF;
	_ =	strace $0x9FFFFFFF  }
0xc8: {  	(tm) =	ssettm $0x7FFFFFFF  }
0xc9: {  	_ =	shalt  }
tec
execute0_lowered:
.L_overlay_start_1:
0x0: {  	(tag) =	ssettag $0x1  }
0x1: {  	s1 =	srdreg.scid  }
0x2: {  	s0 =	stileid.u32;
	s6 =	sand.u32 $0x1, s1  }
0x3: {  	s5 =	rddreg [dreg:$0x0];
	s30 =	sshll.u32 s0, $0x7;
	s2 =	sshll.u32 s6, $0x6  }
0x4: {  	s8 =	rddreg [dreg:$0x1];
	s9 =	sor.u32 s2, s30  }
0x5: {  	s1 =	rddreg [dreg:$0x2];
	s2 =	simm.s32 $0x0;
	s3 =	sshrl.u32 s9, $0x3  }
0x6: {  	s10 =	ssub.s32 $0x2, s6;
	[smem:$0x7FF] =	sst s2;
	s3 =	sadd.s32 s3, s5  }
0x7: {  	_ =	strace $0x80000047;
	s4 =	sadd.s32 $0x1C00, s3;
	s3 =	simm.s32 $0x2  }
0x8: {  	[tilespmem:s2], [sflag:$0x2] =	stream.linear.gather [hbm4b:s4+s2], $0x40, $0x38;
	[tilespmem:$0x1040] =	vst v63  }
0x9: {  	s7 =	simm.s32 $0x1;
	s11 =	sshrl.u32 s10, $0x1;
	_ =	swait.ge [sflag:s3], $0x40  }
0xa: {  	s6 =	simm.s32 $0x40;
	s10 =	ssub.s32 s10, s11;
	[sflag:s3] =	ssyncset.done $0x0  }
0xb: {  	s5 =	sadd.s32 $0xC00, s5;
	s31 =	smax.u32 s10, $0x1;
	[sflag:s3] =	ssyncadd.s32 $0xFFFFFFC0  }
0xc: {  	[tilespmem:s6], [sflag:$0x1] =	stream.indirect.gather [hbm4b:s5+s6], $0x40, s2, s6, $0xb8;
	[tilespmem:$0x1040] =	vst v63  }
0xd: {  	p0 =	sne.s32 s31, $0x1;
	_ =	swait.ge [sflag:s7], $0x1000  }
.Ltmp0:
0xe: {  	s9 =	sshll.u32 s9, $0x3;
	[sflag:s7] =	ssyncset.done $0x0;
	(pc) =	sbr.rel @!p0 .LBB2_2-.Ltmp0, $4  }
0xf: {  	s8 =	sadd.s32 s8, s9;
	[sflag:s7] =	ssyncadd.s32 $0xFFFFF000  }
0x10: {  	[hbm4b:s8+s2] =	stream.linear.scatter [tilespmem:s6], [sflag:$0x2], $0x1000, $0x38;
	[tilespmem:$0x1040] =	vst v63  }
0x11: {  	_ =	swait.ge [sflag:s3], $0x1000  }
0x12: {  	s9 =	sadd.s32 $0xFFFFFFFF, s31;
	[sflag:s3] =	ssyncset.done $0x0  }
.LBB2_1:
0x13: {  	p0 =	sne.s32 s9, $0x1;
	s9 =	sadd.s32 $0xFFFFFFFF, s9;
	[sflag:s3] =	ssyncadd.s32 $0xFFFFF000  }
0x14: {  	[tilespmem:s2], [sflag:$0x2] =	stream.linear.gather [hbm4b:s4+s2], $0x40, $0x38;
	[tilespmem:$0x1040] =	vst v63  }
0x15: {  	_ =	swait.ge [sflag:s3], $0x40  }
0x16: {  	[sflag:s3] =	ssyncset.done $0x0  }
0x17: {  	[sflag:s3] =	ssyncadd.s32 $0xFFFFFFC0  }
0x18: {  	[tilespmem:s6], [sflag:$0x1] =	stream.indirect.gather [hbm4b:s5+s6], $0x40, s2, s6, $0xb8;
	[tilespmem:$0x1040] =	vst v63  }
0x19: {  	_ =	swait.ge [sflag:s7], $0x1000  }
.Ltmp1:
0x1a: {  	[sflag:s7] =	ssyncset.done $0x0;
	(pc) =	sbr.rel @p0 .LBB2_1-.Ltmp1, $4  }
0x1b: {  	[sflag:s7] =	ssyncadd.s32 $0xFFFFF000  }
0x1c: {  	[hbm4b:s8+s2] =	stream.linear.scatter [tilespmem:s6], [sflag:$0x2], $0x1000, $0x38;
	[tilespmem:$0x1040] =	vst v63  }
0x1d: {  	_ =	swait.ge [sflag:s3], $0x1000  }
0x1e: {  	[sflag:s3] =	ssyncset.done $0x0  }
.LBB2_2:
0x1f: {  	[sflag:s3] =	ssyncadd.s32 $0xFFFFF000  }
0x20: {  	_ =	sfence.sel $0x180000  }
0x21: {  	[bflag:$0x0] =	sbarrier.arrive $0xFFFF  }
0x22: {  	p0 =	sne.s32 s0, $0x0;
	_ =	strace $0x90000047  }
0x23: {  	s0 =	sadd.s32 @!p0 $0x100000, s1;
	[bflag:$0x2] =	sbarrier.arrive $0xFFFF  }
0x24: {  	[sflag:s0] =	ssyncadd.tile.s32 @!p0 $0x1;
	_ =	shalt  }
.Lfunc_end2:
_tile_overlayer_lowered:
.L_overlay_start_2:
0x25: {  	(tag) =	ssettag $0x2  }
0x26: {  	s0 =	rddreg [dreg:$0x0];
	s2 =	stileid.u32  }
0x27: {  	s1 =	rddreg [dreg:$0x1];
	p0 =	sne.s32 s2, $0x0  }
0x28: {  	s3 =	rddreg [dreg:$0x2];
	[bflag:$0x3] =	sbarrier.arrive $0xFFFF;
	s2 =	simm.s32 @!p0 $0x1C02  }
0x29: {  	[timem:s3], [sflag:s2] =	dma.local @!p0 [hbm:s0], s1  }
0x2a: {  	s0 =	simm.s32 @!p0 $0x2  }
0x2b: {  	_ =	swait.ge @!p0 [sflag:s0], s1  }
0x2c: {  	s1 =	ssub.s32 @!p0 $0x0, s1;
	[sflag:s0] =	ssyncset.done @!p0 $0x0  }
0x2d: {  	[sflag:s0] =	ssyncadd.s32 @!p0 s1  }
0x2e: {  	[bflag:$0x3] =	sbarrier.arrive $0xFFFF  }
0x2f: {  	_ =	shalt  }

</sc_bundles>
